<compile_context>
chip_gen: v7x
topology: tpu7x:2x2x1
jax: 0.10.2.dev20260603
libtpu: 0.0.44.dev20260713+nightly
codegen_flags: <defaults>
</compile_context>

<pallas_src>
import functools

import jax
import jax.numpy as jnp
from jax import lax
from jax.experimental import pallas as pl
from jax.experimental.pallas import tpu as pltpu
from jax.experimental.pallas import tpu_sc as plsc

B = 16384
NC = 2
NS = 16
L = 16
NW = NC * NS
BPW = B // NW
NG = BPW // L

H_V, H_D = 24, 8
D_V, D_D = 7, 4
M_V, M_D = 31, 6
OUT_D = H_D + D_D + M_D


def _build_kernel():
    mesh = plsc.VectorSubcoreMesh(core_axis_name="c", subcore_axis_name="s")

    @functools.partial(
        pl.kernel,
        mesh=mesh,
        compiler_params=pltpu.CompilerParams(needs_layout_passes=False),
        out_type=jax.ShapeDtypeStruct((OUT_D, B), jnp.float32),
        scratch_types=[
            pltpu.VMEM((H_D, H_V), jnp.float32),
            pltpu.VMEM((D_D, D_V), jnp.float32),
            pltpu.VMEM((M_D, M_V), jnp.float32),
            pltpu.VMEM((BPW,), jnp.int32),
            pltpu.VMEM((BPW,), jnp.int32),
            pltpu.VMEM((BPW,), jnp.int32),
            pltpu.VMEM((OUT_D, BPW), jnp.float32),
        ],
    )
    def emb(hour_hbm, dow_hbm, dom_hbm, ht_hbm, dt_hbm, mt_hbm, out_hbm,
            ht_v, dt_v, mt_v, hi_v, di_v, mi_v, out_v):
        wid = lax.axis_index("s") * NC + lax.axis_index("c")
        base = wid * BPW

        pltpu.sync_copy(ht_hbm, ht_v)
        pltpu.sync_copy(dt_hbm, dt_v)
        pltpu.sync_copy(mt_hbm, mt_v)
        pltpu.sync_copy(hour_hbm.at[pl.ds(base, BPW)], hi_v)
        pltpu.sync_copy(dow_hbm.at[pl.ds(base, BPW)], di_v)
        pltpu.sync_copy(dom_hbm.at[pl.ds(base, BPW)], mi_v)

        def body(g, carry):
            sl = pl.ds(g * L, L)
            hi = hi_v[sl]
            di = di_v[sl]
            mi = mi_v[sl]
            for j in range(H_D):
                col = jnp.full((L,), j, jnp.int32)
                out_v[j, sl] = plsc.load_gather(ht_v, [col, hi])
            for j in range(D_D):
                col = jnp.full((L,), j, jnp.int32)
                out_v[H_D + j, sl] = plsc.load_gather(dt_v, [col, di])
            for j in range(M_D):
                col = jnp.full((L,), j, jnp.int32)
                out_v[H_D + D_D + j, sl] = plsc.load_gather(mt_v, [col, mi])
            return carry

        lax.fori_loop(0, NG, body, 0)

        pltpu.sync_copy(out_v, out_hbm.at[:, pl.ds(base, BPW)])

    return emb


_EMB = _build_kernel()


@jax.jit
def kernel(hour, dow, dom, hour_table, dow_table, dom_table):
    out_t = _EMB(hour.astype(jnp.int32), dow.astype(jnp.int32),
                 dom.astype(jnp.int32), hour_table.T, dow_table.T,
                 dom_table.T)
    return out_t.T

# --- scband reference (transcript-rebuilt; emitter-appended) ---
"""Pipeline reference for scband-time-embeddings-90915867722205 (READ-ONLY COPY).

The authoritative reference and input builder live on the scoring server;
editing this copy changes nothing except your own understanding.
"""

import jax, jax.numpy as jnp
import numpy as np

def setup_inputs(seed: int = 0) -> dict:
    key = jax.random.key(seed)
    k1, k2, k3, k4, k5, k6 = jax.random.split(key, 6)
    B = 16384
    hour = jax.random.randint(k1, (B,), 0, 24, dtype=jnp.int64 if jax.config.jax_enable_x64 else jnp.int32)
    dow = jax.random.randint(k2, (B,), 0, 7, dtype=jnp.int64 if jax.config.jax_enable_x64 else jnp.int32)
    dom = jax.random.randint(k3, (B,), 0, 31, dtype=jnp.int64 if jax.config.jax_enable_x64 else jnp.int32)
    hour_table = jax.random.normal(k4, (24, 8), dtype=jnp.float32)
    dow_table = jax.random.normal(k5, (7, 4), dtype=jnp.float32)
    dom_table = jax.random.normal(k6, (31, 6), dtype=jnp.float32)
    return {"hour": hour, "dow": dow, "dom": dom,
            "hour_table": hour_table, "dow_table": dow_table, "dom_table": dom_table}

def reference(hour, dow, dom, hour_table, dow_table, dom_table):
    h = jnp.take(hour_table, hour, axis=0)
    d = jnp.take(dow_table, dow, axis=0)
    m = jnp.take(dom_table, dom, axis=0)
    return jnp.concatenate([h, d, m], axis=1)

if __name__ == "__main__":
    import jax
    _d = setup_inputs()
    print(jax.jit(kernel)(*tuple(_d.values())))

</pallas_src>

<mosaic_0001>
#map = affine_map<(d0, d1) -> (0)>
#map1 = affine_map<(d0, d1) -> (0, 0)>
module attributes {stable_mosaic.version = 14 : i64} {
  func.func @emb(%arg0: i32, %arg1: i32, %arg2: memref<16384xi32, #tpu.memory_space<hbm>>, %arg3: memref<16384xi32, #tpu.memory_space<hbm>>, %arg4: memref<16384xi32, #tpu.memory_space<hbm>>, %arg5: memref<8x24xf32, #tpu.memory_space<hbm>>, %arg6: memref<4x7xf32, #tpu.memory_space<hbm>>, %arg7: memref<6x31xf32, #tpu.memory_space<hbm>>, %arg8: memref<18x16384xf32, #tpu.memory_space<hbm>>, %arg9: memref<8x24xf32, #tpu.memory_space<vmem>>, %arg10: memref<4x7xf32, #tpu.memory_space<vmem>>, %arg11: memref<6x31xf32, #tpu.memory_space<vmem>>, %arg12: memref<512xi32, #tpu.memory_space<vmem>>, %arg13: memref<512xi32, #tpu.memory_space<vmem>>, %arg14: memref<512xi32, #tpu.memory_space<vmem>>, %arg15: memref<18x512xf32, #tpu.memory_space<vmem>>) attributes {dimension_semantics = [#tpu.dimension_semantics<core_parallel>, #tpu.dimension_semantics<subcore_parallel>], iteration_bounds = array<i64: 2, 16>, scalar_prefetch = 0 : i64, scratch_operands = 7 : i64, tpu.core_type = #tpu.core_type<sc_vector_subcore>, window_params = [{transform_indices = #map}, {transform_indices = #map}, {transform_indices = #map}, {transform_indices = #map1}, {transform_indices = #map1}, {transform_indices = #map1}, {transform_indices = #map1}]} {
    %mul3A = arith.constant 2 : i32
    %mul3A_0 = arith.muli %arg1, %mul3A : i32
    %add3A = arith.addi %mul3A_0, %arg0 : i32
    %mul3A_1 = arith.constant 512 : i32
    %mul3A_2 = arith.muli %add3A, %mul3A_1 : i32
    "tpu.region"() ({
      %run_scoped3A = tpu.sem_alloc : memref<!tpu.dma_semaphore, #tpu.memory_space<semaphore_mem>>
      tpu.enqueue_dma source(%arg5 : memref<8x24xf32, #tpu.memory_space<hbm>>) target(%arg9 : memref<8x24xf32, #tpu.memory_space<vmem>>) target_semaphore(%run_scoped3A : memref<!tpu.dma_semaphore, #tpu.memory_space<semaphore_mem>>)
      tpu.wait_dma2 semaphore(%run_scoped3A : memref<!tpu.dma_semaphore, #tpu.memory_space<semaphore_mem>>) src(%arg5 : memref<8x24xf32, #tpu.memory_space<hbm>>) dst(%arg9 : memref<8x24xf32, #tpu.memory_space<vmem>>)
      tpu.yield
    }) : () -> ()
    "tpu.region"() ({
      %run_scoped3A = tpu.sem_alloc : memref<!tpu.dma_semaphore, #tpu.memory_space<semaphore_mem>>
      tpu.enqueue_dma source(%arg6 : memref<4x7xf32, #tpu.memory_space<hbm>>) target(%arg10 : memref<4x7xf32, #tpu.memory_space<vmem>>) target_semaphore(%run_scoped3A : memref<!tpu.dma_semaphore, #tpu.memory_space<semaphore_mem>>)
      tpu.wait_dma2 semaphore(%run_scoped3A : memref<!tpu.dma_semaphore, #tpu.memory_space<semaphore_mem>>) src(%arg6 : memref<4x7xf32, #tpu.memory_space<hbm>>) dst(%arg10 : memref<4x7xf32, #tpu.memory_space<vmem>>)
      tpu.yield
    }) : () -> ()
    "tpu.region"() ({
      %run_scoped3A = tpu.sem_alloc : memref<!tpu.dma_semaphore, #tpu.memory_space<semaphore_mem>>
      tpu.enqueue_dma source(%arg7 : memref<6x31xf32, #tpu.memory_space<hbm>>) target(%arg11 : memref<6x31xf32, #tpu.memory_space<vmem>>) target_semaphore(%run_scoped3A : memref<!tpu.dma_semaphore, #tpu.memory_space<semaphore_mem>>)
      tpu.wait_dma2 semaphore(%run_scoped3A : memref<!tpu.dma_semaphore, #tpu.memory_space<semaphore_mem>>) src(%arg7 : memref<6x31xf32, #tpu.memory_space<hbm>>) dst(%arg11 : memref<6x31xf32, #tpu.memory_space<vmem>>)
      tpu.yield
    }) : () -> ()
    "tpu.region"() ({
      %run_scoped3A = tpu.sem_alloc : memref<!tpu.dma_semaphore, #tpu.memory_space<semaphore_mem>>
      %dma_start3A = tpu.memref_slice %arg2[%mul3A_2] : memref<16384xi32, #tpu.memory_space<hbm>> -> memref<512xi32, #tpu.memory_space<hbm>>
      %dma_start3A_8 = tpu.memref_slice %arg2[%mul3A_2] : memref<16384xi32, #tpu.memory_space<hbm>> -> memref<512xi32, #tpu.memory_space<hbm>>
      tpu.enqueue_dma source(%dma_start3A_8 : memref<512xi32, #tpu.memory_space<hbm>>) target(%arg12 : memref<512xi32, #tpu.memory_space<vmem>>) target_semaphore(%run_scoped3A : memref<!tpu.dma_semaphore, #tpu.memory_space<semaphore_mem>>)
      %dma_wait3A = tpu.memref_slice %arg2[%mul3A_2] : memref<16384xi32, #tpu.memory_space<hbm>> -> memref<512xi32, #tpu.memory_space<hbm>>
      %dma_wait3A_9 = tpu.memref_slice %arg2[%mul3A_2] : memref<16384xi32, #tpu.memory_space<hbm>> -> memref<512xi32, #tpu.memory_space<hbm>>
      tpu.wait_dma2 semaphore(%run_scoped3A : memref<!tpu.dma_semaphore, #tpu.memory_space<semaphore_mem>>) src(%dma_wait3A_9 : memref<512xi32, #tpu.memory_space<hbm>>) dst(%arg12 : memref<512xi32, #tpu.memory_space<vmem>>)
      tpu.yield
    }) : () -> ()
    "tpu.region"() ({
      %run_scoped3A = tpu.sem_alloc : memref<!tpu.dma_semaphore, #tpu.memory_space<semaphore_mem>>
      %dma_start3A = tpu.memref_slice %arg3[%mul3A_2] : memref<16384xi32, #tpu.memory_space<hbm>> -> memref<512xi32, #tpu.memory_space<hbm>>
      %dma_start3A_8 = tpu.memref_slice %arg3[%mul3A_2] : memref<16384xi32, #tpu.memory_space<hbm>> -> memref<512xi32, #tpu.memory_space<hbm>>
      tpu.enqueue_dma source(%dma_start3A_8 : memref<512xi32, #tpu.memory_space<hbm>>) target(%arg13 : memref<512xi32, #tpu.memory_space<vmem>>) target_semaphore(%run_scoped3A : memref<!tpu.dma_semaphore, #tpu.memory_space<semaphore_mem>>)
      %dma_wait3A = tpu.memref_slice %arg3[%mul3A_2] : memref<16384xi32, #tpu.memory_space<hbm>> -> memref<512xi32, #tpu.memory_space<hbm>>
      %dma_wait3A_9 = tpu.memref_slice %arg3[%mul3A_2] : memref<16384xi32, #tpu.memory_space<hbm>> -> memref<512xi32, #tpu.memory_space<hbm>>
      tpu.wait_dma2 semaphore(%run_scoped3A : memref<!tpu.dma_semaphore, #tpu.memory_space<semaphore_mem>>) src(%dma_wait3A_9 : memref<512xi32, #tpu.memory_space<hbm>>) dst(%arg13 : memref<512xi32, #tpu.memory_space<vmem>>)
      tpu.yield
    }) : () -> ()
    "tpu.region"() ({
      %run_scoped3A = tpu.sem_alloc : memref<!tpu.dma_semaphore, #tpu.memory_space<semaphore_mem>>
      %dma_start3A = tpu.memref_slice %arg4[%mul3A_2] : memref<16384xi32, #tpu.memory_space<hbm>> -> memref<512xi32, #tpu.memory_space<hbm>>
      %dma_start3A_8 = tpu.memref_slice %arg4[%mul3A_2] : memref<16384xi32, #tpu.memory_space<hbm>> -> memref<512xi32, #tpu.memory_space<hbm>>
      tpu.enqueue_dma source(%dma_start3A_8 : memref<512xi32, #tpu.memory_space<hbm>>) target(%arg14 : memref<512xi32, #tpu.memory_space<vmem>>) target_semaphore(%run_scoped3A : memref<!tpu.dma_semaphore, #tpu.memory_space<semaphore_mem>>)
      %dma_wait3A = tpu.memref_slice %arg4[%mul3A_2] : memref<16384xi32, #tpu.memory_space<hbm>> -> memref<512xi32, #tpu.memory_space<hbm>>
      %dma_wait3A_9 = tpu.memref_slice %arg4[%mul3A_2] : memref<16384xi32, #tpu.memory_space<hbm>> -> memref<512xi32, #tpu.memory_space<hbm>>
      tpu.wait_dma2 semaphore(%run_scoped3A : memref<!tpu.dma_semaphore, #tpu.memory_space<semaphore_mem>>) src(%dma_wait3A_9 : memref<512xi32, #tpu.memory_space<hbm>>) dst(%arg14 : memref<512xi32, #tpu.memory_space<vmem>>)
      tpu.yield
    }) : () -> ()
    %scan3A = arith.constant 0 : i32
    %scan3A_3 = arith.constant 0 : i32
    %scan3A_4 = arith.constant 32 : i32
    %scan3A_5 = arith.addi %scan3A_3, %scan3A_4 : i32
    %scan3A_6 = arith.constant 1 : i32
    scf.for %scan3A_8 = %scan3A_3 to %scan3A_5 step %scan3A_6  : i32 {
      %mul3A_9 = arith.constant 16 : i32
      %mul3A_10 = arith.muli %scan3A_8, %mul3A_9 : i32
      %get3A = arith.index_cast %mul3A_10 : i32 to index
      %get3A_11 = tpu.vector_load %arg12[%get3A] {strides = array<i32>} : memref<512xi32, #tpu.memory_space<vmem>>, vector<16xi32>,
      %get3A_12 = arith.index_cast %mul3A_10 : i32 to index
      %get3A_13 = tpu.vector_load %arg13[%get3A_12] {strides = array<i32>} : memref<512xi32, #tpu.memory_space<vmem>>, vector<16xi32>,
      %get3A_14 = arith.index_cast %mul3A_10 : i32 to index
      %get3A_15 = tpu.vector_load %arg14[%get3A_14] {strides = array<i32>} : memref<512xi32, #tpu.memory_space<vmem>>, vector<16xi32>,
      %broadcast_in_dim3A = arith.constant 0 : i32
      %broadcast_in_dim3A_16 = vector.broadcast %broadcast_in_dim3A : i32 to vector<16xi32>
      %gather3A = tpu.vector_load_idx %arg9[%broadcast_in_dim3A_16, %get3A_11] : memref<8x24xf32, #tpu.memory_space<vmem>>[vector<16xi32>, vector<16xi32>], vector<16xf32>,
      %swap3A = arith.constant 0 : i32
      %swap3A_17 = arith.index_cast %swap3A : i32 to index
      %swap3A_18 = arith.index_cast %mul3A_10 : i32 to index
      %swap3A_19 = tpu.vector_load %arg15[%swap3A_17, %swap3A_18] {strides = array<i32>} : memref<18x512xf32, #tpu.memory_space<vmem>>, vector<16xf32>,
      tpu.vector_store %arg15[%swap3A_17, %swap3A_18], %gather3A {strides = array<i32>} : memref<18x512xf32, #tpu.memory_space<vmem>>, vector<16xf32>,
      %broadcast_in_dim3A_20 = arith.constant 1 : i32
      %broadcast_in_dim3A_21 = vector.broadcast %broadcast_in_dim3A_20 : i32 to vector<16xi32>
      %gather3A_22 = tpu.vector_load_idx %arg9[%broadcast_in_dim3A_21, %get3A_11] : memref<8x24xf32, #tpu.memory_space<vmem>>[vector<16xi32>, vector<16xi32>], vector<16xf32>,
      %swap3A_23 = arith.constant 1 : i32
      %swap3A_24 = arith.index_cast %swap3A_23 : i32 to index
      %swap3A_25 = arith.index_cast %mul3A_10 : i32 to index
      %swap3A_26 = tpu.vector_load %arg15[%swap3A_24, %swap3A_25] {strides = array<i32>} : memref<18x512xf32, #tpu.memory_space<vmem>>, vector<16xf32>,
      tpu.vector_store %arg15[%swap3A_24, %swap3A_25], %gather3A_22 {strides = array<i32>} : memref<18x512xf32, #tpu.memory_space<vmem>>, vector<16xf32>,
      %broadcast_in_dim3A_27 = arith.constant 2 : i32
      %broadcast_in_dim3A_28 = vector.broadcast %broadcast_in_dim3A_27 : i32 to vector<16xi32>
      %gather3A_29 = tpu.vector_load_idx %arg9[%broadcast_in_dim3A_28, %get3A_11] : memref<8x24xf32, #tpu.memory_space<vmem>>[vector<16xi32>, vector<16xi32>], vector<16xf32>,
      %swap3A_30 = arith.constant 2 : i32
      %swap3A_31 = arith.index_cast %swap3A_30 : i32 to index
      %swap3A_32 = arith.index_cast %mul3A_10 : i32 to index
      %swap3A_33 = tpu.vector_load %arg15[%swap3A_31, %swap3A_32] {strides = array<i32>} : memref<18x512xf32, #tpu.memory_space<vmem>>, vector<16xf32>,
      tpu.vector_store %arg15[%swap3A_31, %swap3A_32], %gather3A_29 {strides = array<i32>} : memref<18x512xf32, #tpu.memory_space<vmem>>, vector<16xf32>,
      %broadcast_in_dim3A_34 = arith.constant 3 : i32
      %broadcast_in_dim3A_35 = vector.broadcast %broadcast_in_dim3A_34 : i32 to vector<16xi32>
      %gather3A_36 = tpu.vector_load_idx %arg9[%broadcast_in_dim3A_35, %get3A_11] : memref<8x24xf32, #tpu.memory_space<vmem>>[vector<16xi32>, vector<16xi32>], vector<16xf32>,
      %swap3A_37 = arith.constant 3 : i32
      %swap3A_38 = arith.index_cast %swap3A_37 : i32 to index
      %swap3A_39 = arith.index_cast %mul3A_10 : i32 to index
      %swap3A_40 = tpu.vector_load %arg15[%swap3A_38, %swap3A_39] {strides = array<i32>} : memref<18x512xf32, #tpu.memory_space<vmem>>, vector<16xf32>,
      tpu.vector_store %arg15[%swap3A_38, %swap3A_39], %gather3A_36 {strides = array<i32>} : memref<18x512xf32, #tpu.memory_space<vmem>>, vector<16xf32>,
      %broadcast_in_dim3A_41 = arith.constant 4 : i32
      %broadcast_in_dim3A_42 = vector.broadcast %broadcast_in_dim3A_41 : i32 to vector<16xi32>
      %gather3A_43 = tpu.vector_load_idx %arg9[%broadcast_in_dim3A_42, %get3A_11] : memref<8x24xf32, #tpu.memory_space<vmem>>[vector<16xi32>, vector<16xi32>], vector<16xf32>,
      %swap3A_44 = arith.constant 4 : i32
      %swap3A_45 = arith.index_cast %swap3A_44 : i32 to index
      %swap3A_46 = arith.index_cast %mul3A_10 : i32 to index
      %swap3A_47 = tpu.vector_load %arg15[%swap3A_45, %swap3A_46] {strides = array<i32>} : memref<18x512xf32, #tpu.memory_space<vmem>>, vector<16xf32>,
      tpu.vector_store %arg15[%swap3A_45, %swap3A_46], %gather3A_43 {strides = array<i32>} : memref<18x512xf32, #tpu.memory_space<vmem>>, vector<16xf32>,
      %broadcast_in_dim3A_48 = arith.constant 5 : i32
      %broadcast_in_dim3A_49 = vector.broadcast %broadcast_in_dim3A_48 : i32 to vector<16xi32>
      %gather3A_50 = tpu.vector_load_idx %arg9[%broadcast_in_dim3A_49, %get3A_11] : memref<8x24xf32, #tpu.memory_space<vmem>>[vector<16xi32>, vector<16xi32>], vector<16xf32>,
      %swap3A_51 = arith.constant 5 : i32
      %swap3A_52 = arith.index_cast %swap3A_51 : i32 to index
      %swap3A_53 = arith.index_cast %mul3A_10 : i32 to index
      %swap3A_54 = tpu.vector_load %arg15[%swap3A_52, %swap3A_53] {strides = array<i32>} : memref<18x512xf32, #tpu.memory_space<vmem>>, vector<16xf32>,
      tpu.vector_store %arg15[%swap3A_52, %swap3A_53], %gather3A_50 {strides = array<i32>} : memref<18x512xf32, #tpu.memory_space<vmem>>, vector<16xf32>,
      %broadcast_in_dim3A_55 = arith.constant 6 : i32
      %broadcast_in_dim3A_56 = vector.broadcast %broadcast_in_dim3A_55 : i32 to vector<16xi32>
      %gather3A_57 = tpu.vector_load_idx %arg9[%broadcast_in_dim3A_56, %get3A_11] : memref<8x24xf32, #tpu.memory_space<vmem>>[vector<16xi32>, vector<16xi32>], vector<16xf32>,
      %swap3A_58 = arith.constant 6 : i32
      %swap3A_59 = arith.index_cast %swap3A_58 : i32 to index
      %swap3A_60 = arith.index_cast %mul3A_10 : i32 to index
      %swap3A_61 = tpu.vector_load %arg15[%swap3A_59, %swap3A_60] {strides = array<i32>} : memref<18x512xf32, #tpu.memory_space<vmem>>, vector<16xf32>,
      tpu.vector_store %arg15[%swap3A_59, %swap3A_60], %gather3A_57 {strides = array<i32>} : memref<18x512xf32, #tpu.memory_space<vmem>>, vector<16xf32>,
      %broadcast_in_dim3A_62 = arith.constant 7 : i32
      %broadcast_in_dim3A_63 = vector.broadcast %broadcast_in_dim3A_62 : i32 to vector<16xi32>
      %gather3A_64 = tpu.vector_load_idx %arg9[%broadcast_in_dim3A_63, %get3A_11] : memref<8x24xf32, #tpu.memory_space<vmem>>[vector<16xi32>, vector<16xi32>], vector<16xf32>,
      %swap3A_65 = arith.constant 7 : i32
      %swap3A_66 = arith.index_cast %swap3A_65 : i32 to index
      %swap3A_67 = arith.index_cast %mul3A_10 : i32 to index
      %swap3A_68 = tpu.vector_load %arg15[%swap3A_66, %swap3A_67] {strides = array<i32>} : memref<18x512xf32, #tpu.memory_space<vmem>>, vector<16xf32>,
      tpu.vector_store %arg15[%swap3A_66, %swap3A_67], %gather3A_64 {strides = array<i32>} : memref<18x512xf32, #tpu.memory_space<vmem>>, vector<16xf32>,
      %broadcast_in_dim3A_69 = arith.constant 0 : i32
      %broadcast_in_dim3A_70 = vector.broadcast %broadcast_in_dim3A_69 : i32 to vector<16xi32>
      %gather3A_71 = tpu.vector_load_idx %arg10[%broadcast_in_dim3A_70, %get3A_13] : memref<4x7xf32, #tpu.memory_space<vmem>>[vector<16xi32>, vector<16xi32>], vector<16xf32>,
      %swap3A_72 = arith.constant 8 : i32
      %swap3A_73 = arith.index_cast %swap3A_72 : i32 to index
      %swap3A_74 = arith.index_cast %mul3A_10 : i32 to index
      %swap3A_75 = tpu.vector_load %arg15[%swap3A_73, %swap3A_74] {strides = array<i32>} : memref<18x512xf32, #tpu.memory_space<vmem>>, vector<16xf32>,
      tpu.vector_store %arg15[%swap3A_73, %swap3A_74], %gather3A_71 {strides = array<i32>} : memref<18x512xf32, #tpu.memory_space<vmem>>, vector<16xf32>,
      %broadcast_in_dim3A_76 = arith.constant 1 : i32
      %broadcast_in_dim3A_77 = vector.broadcast %broadcast_in_dim3A_76 : i32 to vector<16xi32>
      %gather3A_78 = tpu.vector_load_idx %arg10[%broadcast_in_dim3A_77, %get3A_13] : memref<4x7xf32, #tpu.memory_space<vmem>>[vector<16xi32>, vector<16xi32>], vector<16xf32>,
      %swap3A_79 = arith.constant 9 : i32
      %swap3A_80 = arith.index_cast %swap3A_79 : i32 to index
      %swap3A_81 = arith.index_cast %mul3A_10 : i32 to index
      %swap3A_82 = tpu.vector_load %arg15[%swap3A_80, %swap3A_81] {strides = array<i32>} : memref<18x512xf32, #tpu.memory_space<vmem>>, vector<16xf32>,
      tpu.vector_store %arg15[%swap3A_80, %swap3A_81], %gather3A_78 {strides = array<i32>} : memref<18x512xf32, #tpu.memory_space<vmem>>, vector<16xf32>,
      %broadcast_in_dim3A_83 = arith.constant 2 : i32
      %broadcast_in_dim3A_84 = vector.broadcast %broadcast_in_dim3A_83 : i32 to vector<16xi32>
      %gather3A_85 = tpu.vector_load_idx %arg10[%broadcast_in_dim3A_84, %get3A_13] : memref<4x7xf32, #tpu.memory_space<vmem>>[vector<16xi32>, vector<16xi32>], vector<16xf32>,
      %swap3A_86 = arith.constant 10 : i32
      %swap3A_87 = arith.index_cast %swap3A_86 : i32 to index
      %swap3A_88 = arith.index_cast %mul3A_10 : i32 to index
      %swap3A_89 = tpu.vector_load %arg15[%swap3A_87, %swap3A_88] {strides = array<i32>} : memref<18x512xf32, #tpu.memory_space<vmem>>, vector<16xf32>,
      tpu.vector_store %arg15[%swap3A_87, %swap3A_88], %gather3A_85 {strides = array<i32>} : memref<18x512xf32, #tpu.memory_space<vmem>>, vector<16xf32>,
      %broadcast_in_dim3A_90 = arith.constant 3 : i32
      %broadcast_in_dim3A_91 = vector.broadcast %broadcast_in_dim3A_90 : i32 to vector<16xi32>
      %gather3A_92 = tpu.vector_load_idx %arg10[%broadcast_in_dim3A_91, %get3A_13] : memref<4x7xf32, #tpu.memory_space<vmem>>[vector<16xi32>, vector<16xi32>], vector<16xf32>,
      %swap3A_93 = arith.constant 11 : i32
      %swap3A_94 = arith.index_cast %swap3A_93 : i32 to index
      %swap3A_95 = arith.index_cast %mul3A_10 : i32 to index
      %swap3A_96 = tpu.vector_load %arg15[%swap3A_94, %swap3A_95] {strides = array<i32>} : memref<18x512xf32, #tpu.memory_space<vmem>>, vector<16xf32>,
      tpu.vector_store %arg15[%swap3A_94, %swap3A_95], %gather3A_92 {strides = array<i32>} : memref<18x512xf32, #tpu.memory_space<vmem>>, vector<16xf32>,
      %broadcast_in_dim3A_97 = arith.constant 0 : i32
      %broadcast_in_dim3A_98 = vector.broadcast %broadcast_in_dim3A_97 : i32 to vector<16xi32>
      %gather3A_99 = tpu.vector_load_idx %arg11[%broadcast_in_dim3A_98, %get3A_15] : memref<6x31xf32, #tpu.memory_space<vmem>>[vector<16xi32>, vector<16xi32>], vector<16xf32>,
      %swap3A_100 = arith.constant 12 : i32
      %swap3A_101 = arith.index_cast %swap3A_100 : i32 to index
      %swap3A_102 = arith.index_cast %mul3A_10 : i32 to index
      %swap3A_103 = tpu.vector_load %arg15[%swap3A_101, %swap3A_102] {strides = array<i32>} : memref<18x512xf32, #tpu.memory_space<vmem>>, vector<16xf32>,
      tpu.vector_store %arg15[%swap3A_101, %swap3A_102], %gather3A_99 {strides = array<i32>} : memref<18x512xf32, #tpu.memory_space<vmem>>, vector<16xf32>,
      %broadcast_in_dim3A_104 = arith.constant 1 : i32
      %broadcast_in_dim3A_105 = vector.broadcast %broadcast_in_dim3A_104 : i32 to vector<16xi32>
      %gather3A_106 = tpu.vector_load_idx %arg11[%broadcast_in_dim3A_105, %get3A_15] : memref<6x31xf32, #tpu.memory_space<vmem>>[vector<16xi32>, vector<16xi32>], vector<16xf32>,
      %swap3A_107 = arith.constant 13 : i32
      %swap3A_108 = arith.index_cast %swap3A_107 : i32 to index
      %swap3A_109 = arith.index_cast %mul3A_10 : i32 to index
      %swap3A_110 = tpu.vector_load %arg15[%swap3A_108, %swap3A_109] {strides = array<i32>} : memref<18x512xf32, #tpu.memory_space<vmem>>, vector<16xf32>,
      tpu.vector_store %arg15[%swap3A_108, %swap3A_109], %gather3A_106 {strides = array<i32>} : memref<18x512xf32, #tpu.memory_space<vmem>>, vector<16xf32>,
      %broadcast_in_dim3A_111 = arith.constant 2 : i32
      %broadcast_in_dim3A_112 = vector.broadcast %broadcast_in_dim3A_111 : i32 to vector<16xi32>
      %gather3A_113 = tpu.vector_load_idx %arg11[%broadcast_in_dim3A_112, %get3A_15] : memref<6x31xf32, #tpu.memory_space<vmem>>[vector<16xi32>, vector<16xi32>], vector<16xf32>,
      %swap3A_114 = arith.constant 14 : i32
      %swap3A_115 = arith.index_cast %swap3A_114 : i32 to index
      %swap3A_116 = arith.index_cast %mul3A_10 : i32 to index
      %swap3A_117 = tpu.vector_load %arg15[%swap3A_115, %swap3A_116] {strides = array<i32>} : memref<18x512xf32, #tpu.memory_space<vmem>>, vector<16xf32>,
      tpu.vector_store %arg15[%swap3A_115, %swap3A_116], %gather3A_113 {strides = array<i32>} : memref<18x512xf32, #tpu.memory_space<vmem>>, vector<16xf32>,
      %broadcast_in_dim3A_118 = arith.constant 3 : i32
      %broadcast_in_dim3A_119 = vector.broadcast %broadcast_in_dim3A_118 : i32 to vector<16xi32>
      %gather3A_120 = tpu.vector_load_idx %arg11[%broadcast_in_dim3A_119, %get3A_15] : memref<6x31xf32, #tpu.memory_space<vmem>>[vector<16xi32>, vector<16xi32>], vector<16xf32>,
      %swap3A_121 = arith.constant 15 : i32
      %swap3A_122 = arith.index_cast %swap3A_121 : i32 to index
      %swap3A_123 = arith.index_cast %mul3A_10 : i32 to index
      %swap3A_124 = tpu.vector_load %arg15[%swap3A_122, %swap3A_123] {strides = array<i32>} : memref<18x512xf32, #tpu.memory_space<vmem>>, vector<16xf32>,
      tpu.vector_store %arg15[%swap3A_122, %swap3A_123], %gather3A_120 {strides = array<i32>} : memref<18x512xf32, #tpu.memory_space<vmem>>, vector<16xf32>,
      %broadcast_in_dim3A_125 = arith.constant 4 : i32
      %broadcast_in_dim3A_126 = vector.broadcast %broadcast_in_dim3A_125 : i32 to vector<16xi32>
      %gather3A_127 = tpu.vector_load_idx %arg11[%broadcast_in_dim3A_126, %get3A_15] : memref<6x31xf32, #tpu.memory_space<vmem>>[vector<16xi32>, vector<16xi32>], vector<16xf32>,
      %swap3A_128 = arith.constant 16 : i32
      %swap3A_129 = arith.index_cast %swap3A_128 : i32 to index
      %swap3A_130 = arith.index_cast %mul3A_10 : i32 to index
      %swap3A_131 = tpu.vector_load %arg15[%swap3A_129, %swap3A_130] {strides = array<i32>} : memref<18x512xf32, #tpu.memory_space<vmem>>, vector<16xf32>,
      tpu.vector_store %arg15[%swap3A_129, %swap3A_130], %gather3A_127 {strides = array<i32>} : memref<18x512xf32, #tpu.memory_space<vmem>>, vector<16xf32>,
      %broadcast_in_dim3A_132 = arith.constant 5 : i32
      %broadcast_in_dim3A_133 = vector.broadcast %broadcast_in_dim3A_132 : i32 to vector<16xi32>
      %gather3A_134 = tpu.vector_load_idx %arg11[%broadcast_in_dim3A_133, %get3A_15] : memref<6x31xf32, #tpu.memory_space<vmem>>[vector<16xi32>, vector<16xi32>], vector<16xf32>,
      %swap3A_135 = arith.constant 17 : i32
      %swap3A_136 = arith.index_cast %swap3A_135 : i32 to index
      %swap3A_137 = arith.index_cast %mul3A_10 : i32 to index
      %swap3A_138 = tpu.vector_load %arg15[%swap3A_136, %swap3A_137] {strides = array<i32>} : memref<18x512xf32, #tpu.memory_space<vmem>>, vector<16xf32>,
      tpu.vector_store %arg15[%swap3A_136, %swap3A_137], %gather3A_134 {strides = array<i32>} : memref<18x512xf32, #tpu.memory_space<vmem>>, vector<16xf32>,
    }
    %scan3A_7 = arith.constant 32 : i32
    "tpu.region"() ({
      %run_scoped3A = tpu.sem_alloc : memref<!tpu.dma_semaphore, #tpu.memory_space<semaphore_mem>>
      %dma_start3A = arith.constant 0 : i32
      %dma_start3A_8 = tpu.memref_slice %arg8[%dma_start3A, %mul3A_2] : memref<18x16384xf32, #tpu.memory_space<hbm>> -> memref<18x512xf32, #tpu.memory_space<hbm>>
      %dma_start3A_9 = arith.constant 0 : i32
      %dma_start3A_10 = tpu.memref_slice %arg8[%dma_start3A_9, %mul3A_2] : memref<18x16384xf32, #tpu.memory_space<hbm>> -> memref<18x512xf32, #tpu.memory_space<hbm>>
      tpu.enqueue_dma source(%arg15 : memref<18x512xf32, #tpu.memory_space<vmem>>) target(%dma_start3A_10 : memref<18x512xf32, #tpu.memory_space<hbm>>) target_semaphore(%run_scoped3A : memref<!tpu.dma_semaphore, #tpu.memory_space<semaphore_mem>>)
      %dma_wait3A = arith.constant 0 : i32
      %dma_wait3A_11 = tpu.memref_slice %arg8[%dma_wait3A, %mul3A_2] : memref<18x16384xf32, #tpu.memory_space<hbm>> -> memref<18x512xf32, #tpu.memory_space<hbm>>
      %dma_wait3A_12 = arith.constant 0 : i32
      %dma_wait3A_13 = tpu.memref_slice %arg8[%dma_wait3A_12, %mul3A_2] : memref<18x16384xf32, #tpu.memory_space<hbm>> -> memref<18x512xf32, #tpu.memory_space<hbm>>
      tpu.wait_dma2 semaphore(%run_scoped3A : memref<!tpu.dma_semaphore, #tpu.memory_space<semaphore_mem>>) src(%arg15 : memref<18x512xf32, #tpu.memory_space<vmem>>) dst(%dma_wait3A_13 : memref<18x512xf32, #tpu.memory_space<hbm>>)
      tpu.yield
    }) : () -> ()
    return
  }
}

</mosaic_0001>

<sc_bundles>
// kernel: kernel.3.cloned.1.call-start
scs
__scs_entry_jumppad:
0x0: {  	(pc) =	sbr.rel $0x88, $3  }
0x1: {  	(tag) =	ssettag $0x0;
	lr =	simm.s32 $0x1  }
0x2: {  	[smem:$0x3F9B] =	sst lr;
	_ =	strace $0xD0000000  }
0x3: {  	_ = 	snop  }
0x4: {  	_ = 	snop  }
0x5: {  	_ = 	snop  }
0x6: {  	_ = 	snop  }
0x7: {  	_ = 	snop  }
__scs_overlays_trampoline_lowered:
0x8: {  	[smem:$0x3FAA] =	sst s0  }
0x9: {  	[smem:$0x3FAB] =	sst s1  }
0xa: {  	[smem:$0x3FAC] =	sst s2  }
0xb: {  	[smem:$0x3FAD] =	sst s3  }
0xc: {  	[smem:$0x3FAE] =	sst s4  }
0xd: {  	[smem:$0x3FAF] =	sst s5  }
0xe: {  	[smem:$0x3FB0] =	sst s6  }
0xf: {  	[smem:$0x3FB1] =	sst s7  }
0x10: {  	[smem:$0x3FB2] =	sst s8  }
0x11: {  	[smem:$0x3FB3] =	sst s9;
	s0 =	simm.s32 @!p0 $0x0  }
0x12: {  	s1 =	sld [smem:$0x3F99];
	s0 =	simm.s32 @p0 $0x1  }
0x13: {  	[smem:$0x3FB4] =	sst s0;
	s0 =	simm.s32 @!p1 $0x0  }
0x14: {  	s2 =	sld [smem:$0x3F98];
	s0 =	simm.s32 @p1 $0x1  }
0x15: {  	[smem:$0x3FB5] =	sst s0;
	s0 =	simm.s32 @!p2 $0x0  }
0x16: {  	s3 =	sld [smem:$0x3FDB];
	s0 =	simm.s32 @p2 $0x1  }
0x17: {  	s4 =	simm.s32 $0x1BF5;
	[smem:$0x3FB7] =	sst s0  }
0x18: {  	s0 =	sld [smem:$0x3F9A];
	_ =	swait.ge [sflag:s4], $0x0  }
0x19: {  	s7 =	sld [smem:$0x3F9B]  }
0x1a: {  	s8 =	sadd.s32 $0xFFFFE003, lr  }
0x1b: {  	s9 =	sadd.s32 $0xFFFFFEF7, lr;
	s5 =	simm.s32 $0xFFFFFFFF;
	p2 =	slt.u32 s8, $0xFFFFF086  }
0x1c: {  	p1 =	slt.u32 s9, $0xF7A;
	s5 =	simm.s32 @!p2 $0x0  }
0x1d: {  	s5 =	simm.s32 @p1 $0x1;
	p0 =	seq.s32 s7, s2  }
0x1e: {  	s7 =	smul.u32 @!p0 $0xF7A, s2;
	p2 =	seq.s32 @!p0 s5, $0x0  }
0x1f: {  	s9 =	smul.u32 $0xF7A, s1;
	s8 =	simm.s32 @!p0 $0x1BF5;
	p2 =	por !p2, p0  }
0x20: {  	[sflag:s8] =	ssyncset.s32 @!p0 $0xFFFFF086;
	s6 =	sadd.s32 @!p0 s3, s7;
	s7 =	simm.s32 @!p0 $0x108  }
0x21: {  	s3 =	sadd.s32 s3, s9;
	s6 =	sadd.s32 @!p0 $0x88, s6;
	s7 =	simm.s32 @p2 $0x1082  }
0x22: {  	[simem:s7], [sflag:s8] =	dma.local @!p0 [hbm:s6], $0xF7A  }
0x23: {  	s9 =	sor.u32 $0xD0000000, s2;
	s6 =	simm.s32 $0x108;
	_ =	swait.ge @!p0 [sflag:s8], $0x0  }
0x24: {  	s3 =	sadd.s32 $0x88, s3;
	s6 =	simm.s32 @!p1 $0x1082;
	[sflag:s4] =	ssyncset.s32 $0xFFFFF086  }
0x25: {  	[simem:s6], [sflag:s4] =	dma.local [hbm:s3], $0xF7A  }
0x26: {  	[smem:$0x3F9B] =	sst s1;
	(tag) =	ssettag s2;
	_ =	strace s9  }
0x27: {  	s1 =	sld [smem:$0x3FAB]  }
0x28: {  	s2 =	sld [smem:$0x3FAC]  }
0x29: {  	s4 =	sld [smem:$0x3FAE]  }
0x2a: {  	p0 =	seq.s32 s5, $0x0;
	s5 =	sld [smem:$0x3FAF]  }
0x2b: {  	s6 =	sld [smem:$0x3FB0]  }
0x2c: {  	s7 =	sld [smem:$0x3FB1]  }
0x2d: {  	s3 =	simm.s32 $0x108;
	s8 =	sld [smem:$0x3FB2]  }
0x2e: {  	s3 =	simm.s32 @!p0 $0x1082;
	s9 =	sld [smem:$0x3FB3]  }
0x2f: {  	lr =	sadd.s32 s0, s3;
	s0 =	sld [smem:$0x3FAA]  }
0x30: {  	s3 =	sld [smem:$0x3FAD]  }
0x31: {  	[smem:$0x3FB6] =	sst s10  }
0x32: {  	s10 =	sld [smem:$0x3FB4];
	_ =	sdelay $0x3  }
0x33: {  	p0 =	seq.s32 s10, $0x1;
	s10 =	sld [smem:$0x3FB6];
	_ =	sdelay $0x3  }
0x34: {  	[smem:$0x3FB6] =	sst s10  }
0x35: {  	s10 =	sld [smem:$0x3FB5];
	_ =	sdelay $0x3  }
0x36: {  	p1 =	seq.s32 s10, $0x1;
	s10 =	sld [smem:$0x3FB6];
	_ =	sdelay $0x3  }
0x37: {  	[smem:$0x3FB6] =	sst s10  }
0x38: {  	s10 =	sld [smem:$0x3FB7]  }
0x39: {  	_ = 	snop;
	(pc) =	sbr.ind lr, $3  }
0x3a: {  	_ = 	snop  }
0x3b: {  	_ = 	snop  }
0x3c: {  	p2 =	seq.s32 s10, $0x1;
	s10 =	sld [smem:$0x3FB6]  }
0x3d: {  	_ =	shalt  }
0x3e: {  	_ =	shalt  }
0x3f: {  	_ =	shalt  }
0x40: {  	_ =	shalt  }
0x41: {  	_ =	shalt  }
0x42: {  	_ =	shalt  }
0x43: {  	_ =	shalt  }
0x44: {  	_ =	shalt  }
0x45: {  	_ =	shalt  }
0x46: {  	_ =	shalt  }
0x47: {  	_ =	shalt  }
0x48: {  	_ =	shalt  }
0x49: {  	_ =	shalt  }
0x4a: {  	_ =	shalt  }
0x4b: {  	_ =	shalt  }
0x4c: {  	_ =	shalt  }
0x4d: {  	_ =	shalt  }
0x4e: {  	_ =	shalt  }
0x4f: {  	_ =	shalt  }
0x50: {  	_ =	shalt  }
0x51: {  	_ =	shalt  }
0x52: {  	_ =	shalt  }
0x53: {  	_ =	shalt  }
0x54: {  	_ =	shalt  }
0x55: {  	_ =	shalt  }
0x56: {  	_ =	shalt  }
0x57: {  	_ =	shalt  }
0x58: {  	_ =	shalt  }
0x59: {  	_ =	shalt  }
0x5a: {  	_ =	shalt  }
0x5b: {  	_ =	shalt  }
0x5c: {  	_ =	shalt  }
0x5d: {  	_ =	shalt  }
0x5e: {  	_ =	shalt  }
0x5f: {  	_ =	shalt  }
0x60: {  	_ =	shalt  }
0x61: {  	_ =	shalt  }
0x62: {  	_ =	shalt  }
0x63: {  	_ =	shalt  }
0x64: {  	_ =	shalt  }
0x65: {  	_ =	shalt  }
0x66: {  	_ =	shalt  }
0x67: {  	_ =	shalt  }
0x68: {  	_ =	shalt  }
0x69: {  	_ =	shalt  }
0x6a: {  	_ =	shalt  }
0x6b: {  	_ =	shalt  }
0x6c: {  	_ =	shalt  }
0x6d: {  	_ =	shalt  }
0x6e: {  	_ =	shalt  }
0x6f: {  	_ =	shalt  }
0x70: {  	_ =	shalt  }
0x71: {  	_ =	shalt  }
0x72: {  	_ =	shalt  }
0x73: {  	_ =	shalt  }
0x74: {  	_ =	shalt  }
0x75: {  	_ =	shalt  }
0x76: {  	_ =	shalt  }
0x77: {  	_ =	shalt  }
0x78: {  	_ =	shalt  }
0x79: {  	_ =	shalt  }
0x7a: {  	_ =	shalt  }
0x7b: {  	_ =	shalt  }
0x7c: {  	_ =	shalt  }
0x7d: {  	_ =	shalt  }
0x7e: {  	_ =	shalt  }
0x7f: {  	_ =	shalt  }
0x80: {  	_ =	shalt  }
0x81: {  	_ =	shalt  }
0x82: {  	_ =	shalt  }
0x83: {  	_ =	shalt  }
0x84: {  	_ =	shalt  }
0x85: {  	_ =	shalt  }
0x86: {  	_ =	shalt  }
0x87: {  	_ =	shalt  }
.Lfunc_end0:
.L_simem_size_0:
called_computation_lowered:
.L_overlay_start_0:
0x88: {  	s2 =	sld [smem:$0x3FD9]  }
0x89: {  	s3 =	sld [smem:$0x3FFE];
	_ =	sdelay $0x1  }
0x8a: {  	s1 =	srdreg.scid  }
0x8b: {  	s0 =	sand.u32 $0x1, s1  }
0x8c: {  	s18 =	sshll.u32 s0, $0xA;
	s2 =	sadd.s32 s3, s2  }
0x8d: {  	s2 =	sadd.s32 s2, s18  }
0x8e: {  	[smem:$0x3FC2] =	sst s2  }
0x8f: {  	_ = 	snop  }
0x90: {  	s2 =	sld [smem:$0x3FC9]  }
0x91: {  	s19 =	sld [smem:$0x3FC8]  }
0x92: {  	s4 =	sld [smem:$0x3FC7]  }
0x93: {  	s5 =	sld [smem:$0x3FC6]  }
0x94: {  	s6 =	sld [smem:$0x3FC5]  }
0x95: {  	s7 =	sld [smem:$0x3FC4]  }
0x96: {  	s8 =	sld [smem:$0x3FD0];
	(tm) =	ssettm $0x1  }
0x97: {  	s9 =	sld [smem:$0x3FFB];
	_ =	sdelay $0x3  }
0x98: {  	_ =	strace s9  }
0x99: {  	s9 =	sld [smem:$0x3FFC];
	_ =	sdelay $0x3  }
0x9a: {  	_ =	strace s9  }
0x9b: {  	s9 =	sld [smem:$0x3FFD];
	_ =	sdelay $0x3  }
0x9c: {  	_ =	strace s9  }
0x9d: {  	_ =	strace $0x8FFFFFFF  }
0x9e: {  	s20 =	sld [smem:$0x3FDB];
	_ =	sdelay $0x1  }
0x9f: {  	s10 =	simm.s32 $_scs_section_size  }
0xa0: {  	s11 =	simm.s32 $_size__tile_overlayer_lowered;
	s12 =	simm.s32 $_tile_overlayer_lowered  }
0xa1: {  	s23 =	simm.s32 $0x1BFF;
	s22 =	sshll.u32 s12, $0x1;
	s9 =	sadd.s32 s10, s20  }
0xa2: {  	s13 =	simm.s32 $0x0;
	s21 =	sshll.u32 s11, $0x1;
	s11 =	sadd.s32 s22, s9  }
0xa3: {  	[timem:s13], [sflag:s23] =	dma.local [hbm:s11], s21  }
0xa4: {  	_ =	swait.ge [sflag:s23], s21  }
0xa5: {  	s10 =	ssub.s32 $0x0, s21;
	[sflag:s23] =	ssyncset.done $0x0  }
0xa6: {  	[sflag:s23] =	ssyncadd.s32 s10;
	_ =	sdelay $0x1  }
0xa7: {  	s24 =	simm.s32 $0x1B8B  }
0xa8: {  	_ =	swait.ge [sflag:s24], $0x1  }
0xa9: {  	[sflag:s24] =	ssyncset.done $0x0  }
0xaa: {  	s25 =	simm.s32 $0x1B8E;
	[sflag:s24] =	ssyncadd.s32 $0xFFFFFFFF  }
0xab: {  	s26 =	simm.s32 $execute0_lowered;
	[smem:$0x3FD2] =	sst s25  }
0xac: {  	s10 =	sshll.u32 s26, $0x1;
	_ =	strace $0x80000046;
	[dreg:$0x1] =	wrdreg $0xFFFFFFFF  }
0xad: {  	s28 =	simm.s32 $_size_execute0_lowered;
	s9 =	sadd.s32 s9, s10;
	[dreg:$0x0] =	wrdreg $0x0  }
0xae: {  	s10 =	sshll.u32 s28, $0x1;
	[dreg:$0x2] =	wrdreg s9  }
0xaf: {  	[dreg:$0x3] =	wrdreg s10  }
0xb0: {  	[dreg:$0x4] =	wrdreg $0xC0  }
0xb1: {  	_ =	task [dreg:s13], $0x5FFFF  }
0xb2: {  	[dreg:$0x1] =	wrdreg $0xFFFFFFFF  }
0xb3: {  	[dreg:$0x0] =	wrdreg $0x60  }
0xb4: {  	[dreg:$0x2] =	wrdreg s2  }
0xb5: {  	[dreg:$0x3] =	wrdreg s19  }
0xb6: {  	[dreg:$0x4] =	wrdreg s4  }
0xb7: {  	[dreg:$0x5] =	wrdreg s5  }
0xb8: {  	[dreg:$0x6] =	wrdreg s6  }
0xb9: {  	[dreg:$0x7] =	wrdreg s7  }
0xba: {  	[dreg:$0x8] =	wrdreg s8  }
0xbb: {  	[dreg:$0x9] =	wrdreg $0x9  }
0xbc: {  	_ =	task.clear_ibuf [dreg:s13], $0xAFFFF;
	_ =	strace $0x90000046  }
0xbd: {  	s29 =	simm.s32 $0x9;
	_ =	strace $0x80000048  }
0xbe: {  	_ =	swait.ge [sflag:s29], $0x1  }
0xbf: {  	[sflag:s29] =	ssyncadd.s32 $0xFFFFFFFF  }
0xc0: {  	_ =	strace $0x90000048  }
0xc1: {  	_ =	sfence  }
0xc2: {  	s30 =	sld [smem:$0x0];
	_ =	sdelay $0x2  }
0xc3: {  	s31 =	sshll.u32 s1, $0xD;
	s1 =	sshrl.u32 s1, $0x2  }
0xc4: {  	s3 =	sand.u32 $0x4000, s31;
	s1 =	sadd.s32 s1, s30  }
0xc5: {  	s0 =	sor.u32 s3, s0;
	s1 =	sshll.u32 s1, $0x11  }
0xc6: {  	s0 =	sor.u32 s1, s0  }
0xc7: {  	s0 =	sadd.s32 $0x8F2B, s0  }
0xc8: {  	[sflag:s0] =	ssyncadd.remote.s32 $0x1  }
0xc9: {  	_ =	sfence.sel $0xFFFF  }
0xca: {  	[dreg:$0x0] =	wrdreg $0xFFFFFFFF;
	(pc) =	sbr.abs _section_cstart, $3  }
0xcb: {  	[dreg:$0x1] =	wrdreg $0xFFFFFFFF  }
0xcc: {  	_ =	task.clear_ibuf [dreg:s13], $0x2FFFF;
	_ =	strace $0x9FFFFFFF  }
0xcd: {  	(tm) =	ssettm $0x7FFFFFFF  }
tec
execute0_lowered:
.L_overlay_start_1:
0x0: {  	(tag) =	ssettag $0x1  }
0x1: {  	s6 =	rddreg [dreg:$0x0]  }
0x2: {  	s7 =	rddreg [dreg:$0x1]  }
0x3: {  	s8 =	rddreg [dreg:$0x2]  }
0x4: {  	s1 =	rddreg [dreg:$0x3]  }
0x5: {  	s2 =	rddreg [dreg:$0x4]  }
0x6: {  	s4 =	rddreg [dreg:$0x5]  }
0x7: {  	s9 =	rddreg [dreg:$0x6];
	s5 =	srdreg.scid  }
0x8: {  	s0 =	rddreg [dreg:$0x7];
	s3 =	stileid.u32;
	s14 =	simm.s32 $0x20000  }
0x9: {  	s15 =	simm.s32 $0x1000;
	s16 =	simm.s32 $0x0;
	s10 =	sand.u32 $0x1, s5  }
0xa: {  	s5 =	simm.s32 $0x0;
	s11 =	sshll.u32 s3, $0xA;
	s12 =	sshll.u32 s10, $0x9  }
0xb: {  	[smem:$0x7FF] =	sst s5;
	s10 =	ssub.s32 $0x2, s10;
	s11 =	sor.u32 s12, s11  }
0xc: {  	_ =	strace $0x80000047;
	s31 =	sshrl.u32 s10, $0x1;
	s12 =	simm.s32 $0x400  }
0xd: {  	s13 =	sshrl.u32 s11, $0x3;
	s10 =	ssub.s32 s10, s31;
	s9 =	sadd.s32 s9, s11  }
0xe: {  	s11 =	simm.s32 $0x1;
	s6 =	sadd.s32 s6, s13;
	s7 =	sadd.s32 s7, s13  }
0xf: {  	s8 =	sadd.s32 s8, s13;
	s10 =	smax.u32 s10, $0x1;
	s13 =	simm.s32 $0x600  }
.LBB2_1:
0x10: {  	[tilespmem:s5], [sflag:$0x1] =	stream.linear.gather [hbm4b:s1+s5], $0x400, $0x38;
	[tilespmem:$0x4000] =	vst v63  }
0x11: {  	_ =	swait.ge [sflag:s11], $0x400  }
0x12: {  	[sflag:s11] =	ssyncset.done $0x0  }
0x13: {  	[sflag:s11] =	ssyncadd.s32 $0xFFFFFC00  }
0x14: {  	[tilespmem:s12], [sflag:$0x1] =	stream.linear.gather [hbm4b:s2+s5], $0x200, $0x38;
	[tilespmem:$0x4000] =	vst v63  }
0x15: {  	_ =	swait.ge [sflag:s11], $0x200  }
0x16: {  	[sflag:s11] =	ssyncset.done $0x0  }
0x17: {  	[sflag:s11] =	ssyncadd.s32 $0xFFFFFE00  }
0x18: {  	[tilespmem:s13], [sflag:$0x1] =	stream.linear.gather [hbm4b:s4+s5], $0x300, $0x38;
	[tilespmem:$0x4000] =	vst v63  }
0x19: {  	_ =	swait.ge [sflag:s11], $0x300  }
0x1a: {  	[sflag:s11] =	ssyncset.done $0x0  }
0x1b: {  	s17 =	simm.s32 $0xA00;
	[sflag:s11] =	ssyncadd.s32 $0xFFFFFD00  }
0x1c: {  	[tilespmem:s17], [sflag:$0x1] =	stream.linear.gather [hbm4b:s6+s5], $0x200, $0x38;
	[tilespmem:$0x4000] =	vst v63  }
0x1d: {  	_ =	swait.ge [sflag:s11], $0x200  }
0x1e: {  	[sflag:s11] =	ssyncset.done $0x0  }
0x1f: {  	s18 =	simm.s32 $0xC00;
	[sflag:s11] =	ssyncadd.s32 $0xFFFFFE00  }
0x20: {  	[tilespmem:s18], [sflag:$0x1] =	stream.linear.gather [hbm4b:s7+s5], $0x200, $0x38;
	[tilespmem:$0x4000] =	vst v63  }
0x21: {  	_ =	swait.ge [sflag:s11], $0x200  }
0x22: {  	[sflag:s11] =	ssyncset.done $0x0  }
0x23: {  	s19 =	simm.s32 $0xE00;
	[sflag:s11] =	ssyncadd.s32 $0xFFFFFE00  }
0x24: {  	[tilespmem:s19], [sflag:$0x1] =	stream.linear.gather [hbm4b:s8+s5], $0x200, $0x38;
	[tilespmem:$0x4000] =	vst v63  }
0x25: {  	_ =	swait.ge [sflag:s11], $0x200  }
0x26: {  	[sflag:s11] =	ssyncset.done $0x0  }
0x27: {  	[sflag:s11] =	ssyncadd.s32 $0xFFFFFE00  }
0x28: {  	v0 =	vld [tilespmem:s17+$0x0];
	_ =	sdelay $0x7  }
0x29: {  	v1 =	vld.idx.msk [tilespmem:v0+s5+$0x0], $0xffff  }
0x2a: {  	v2 =	vadd.s32 $0x80, v0;
	_ =	sdelay $0x1  }
0x2b: {  	s20 =	sand.u32 $0x70, s5;
	s30 =	sand.u32 $0xC00, s5  }
0x2c: {  	v3 =	vld [tilespmem:s19+$0x0];
	s19 =	sor.u32 s20, s30  }
0x2d: {  	v4 =	vld [tilespmem:s18+$0x0];
	[tilespmem:s19+$0x1000] =	vst v1  }
0x2e: {  	v1 =	vld.idx.msk [tilespmem:v2+s5+$0x0], $0xffff  }
0x2f: {  	v2 =	vadd.s32 $0x100, v0;
	_ =	sdelay $0x3  }
0x30: {  	[tilespmem:s19+$0x1080] =	vst v1  }
0x31: {  	v1 =	vld.idx.msk [tilespmem:v2+s5+$0x0], $0xffff  }
0x32: {  	v2 =	vadd.s32 $0x180, v0;
	_ =	sdelay $0x3  }
0x33: {  	[tilespmem:s19+$0x1100] =	vst v1  }
0x34: {  	v1 =	vld.idx.msk [tilespmem:v2+s5+$0x0], $0xffff  }
0x35: {  	v2 =	vadd.s32 $0x200, v0;
	_ =	sdelay $0x3  }
0x36: {  	[tilespmem:s19+$0x1180] =	vst v1  }
0x37: {  	v1 =	vld.idx.msk [tilespmem:v2+s5+$0x0], $0xffff  }
0x38: {  	v2 =	vadd.s32 $0x280, v0;
	_ =	sdelay $0x3  }
0x39: {  	[tilespmem:s19+$0x1200] =	vst v1  }
0x3a: {  	v1 =	vld.idx.msk [tilespmem:v2+s5+$0x0], $0xffff  }
0x3b: {  	v2 =	vadd.s32 $0x300, v0;
	_ =	sdelay $0x3  }
0x3c: {  	[tilespmem:s19+$0x1280] =	vst v1  }
0x3d: {  	v1 =	vld.idx.msk [tilespmem:v2+s5+$0x0], $0xffff  }
0x3e: {  	v0 =	vadd.s32 $0x380, v0;
	_ =	sdelay $0x3  }
0x3f: {  	[tilespmem:s19+$0x1300] =	vst v1  }
0x40: {  	v0 =	vld.idx.msk [tilespmem:v0+s5+$0x0], $0xffff;
	_ =	sdelay $0x2  }
0x41: {  	s31 =	sor.u32 s5, s5  }
0x42: {  	s20 =	sor.u32 $0x380, s31  }
0x43: {  	[tilespmem:s20+$0x1000] =	vst v0  }
0x44: {  	v0 =	vld.idx.msk [tilespmem:v4+s12+$0x0], $0xffff  }
0x45: {  	v1 =	vadd.s32 $0x80, v4;
	_ =	sdelay $0x3  }
0x46: {  	[tilespmem:s19+$0x2000] =	vst v0  }
0x47: {  	v0 =	vld.idx.msk [tilespmem:v1+s12+$0x0], $0xffff  }
0x48: {  	v1 =	vadd.s32 $0x100, v4;
	_ =	sdelay $0x3  }
0x49: {  	[tilespmem:s19+$0x2080] =	vst v0  }
0x4a: {  	v0 =	vld.idx.msk [tilespmem:v1+s12+$0x0], $0xffff  }
0x4b: {  	v1 =	vadd.s32 $0x180, v4;
	_ =	sdelay $0x3  }
0x4c: {  	[tilespmem:s19+$0x2100] =	vst v0  }
0x4d: {  	v0 =	vld.idx.msk [tilespmem:v1+s12+$0x0], $0xffff;
	_ =	sdelay $0x4  }
0x4e: {  	[tilespmem:s19+$0x2180] =	vst v0  }
0x4f: {  	v0 =	vld.idx.msk [tilespmem:v3+s13+$0x0], $0xffff  }
0x50: {  	v1 =	vadd.s32 $0x80, v3;
	_ =	sdelay $0x3  }
0x51: {  	[tilespmem:s19+$0x2200] =	vst v0  }
0x52: {  	v0 =	vld.idx.msk [tilespmem:v1+s13+$0x0], $0xffff  }
0x53: {  	v1 =	vadd.s32 $0x100, v3;
	_ =	sdelay $0x3  }
0x54: {  	[tilespmem:s19+$0x2280] =	vst v0  }
0x55: {  	v0 =	vld.idx.msk [tilespmem:v1+s13+$0x0], $0xffff  }
0x56: {  	v1 =	vadd.s32 $0x180, v3;
	_ =	sdelay $0x3  }
0x57: {  	[tilespmem:s19+$0x2300] =	vst v0  }
0x58: {  	v0 =	vld.idx.msk [tilespmem:v1+s13+$0x0], $0xffff  }
0x59: {  	v1 =	vadd.s32 $0x200, v3;
	_ =	sdelay $0x3  }
0x5a: {  	[tilespmem:s19+$0x2380] =	vst v0  }
0x5b: {  	v0 =	vld.idx.msk [tilespmem:v1+s13+$0x0], $0xffff  }
0x5c: {  	v1 =	vadd.s32 $0x280, v3;
	_ =	sdelay $0x3  }
0x5d: {  	[tilespmem:s19+$0x3000] =	vst v0  }
0x5e: {  	v0 =	vld.idx.msk [tilespmem:v1+s13+$0x0], $0xffff;
	_ =	sdelay $0x3  }
0x5f: {  	s21 =	simm.s32 $0xE10;
	s22 =	simm.s32 $0x0;
	s20 =	simm.s32 $0x10  }
.LBB2_2:
0x60: {  	[tilespmem:s19+$0x3080] =	vst v0;
	s22 =	sadd.s32 $0x80, s22;
	s17 =	sadd.s32 $0x10, s17;
	s18 =	sadd.s32 $0x10, s18  }
0x61: {  	p0 =	sne.s32 s20, $0x1F0;
	s23 =	smov.u32 s20;
	s20 =	sadd.s32 $0x10, s20;
	v1 =	vld [tilespmem:s17+$0x0]  }
0x62: {  	_ =	sdelay $0x6  }
0x63: {  	v2 =	vld.idx.msk [tilespmem:v1+s5+$0x0], $0xffff;
	_ =	sdelay $0x1  }
0x64: {  	v3 =	vadd.s32 $0x80, v1;
	_ =	sdelay $0x1  }
0x65: {  	s19 =	sand.u32 $0x70, s23;
	s24 =	sand.u32 $0xC00, s22;
	v0 =	vld [tilespmem:s21+$0x0]  }
0x66: {  	s19 =	sor.u32 s19, s24;
	v4 =	vld [tilespmem:s18+$0x0]  }
0x67: {  	[tilespmem:s19+$0x1000] =	vst v2  }
0x68: {  	v2 =	vld.idx.msk [tilespmem:v3+s5+$0x0], $0xffff;
	_ =	sdelay $0x1  }
0x69: {  	v3 =	vadd.s32 $0x100, v1;
	_ =	sdelay $0x3  }
0x6a: {  	[tilespmem:s19+$0x1080] =	vst v2  }
0x6b: {  	v2 =	vld.idx.msk [tilespmem:v3+s5+$0x0], $0xffff;
	_ =	sdelay $0x1  }
0x6c: {  	v3 =	vadd.s32 $0x180, v1;
	_ =	sdelay $0x3  }
0x6d: {  	[tilespmem:s19+$0x1100] =	vst v2  }
0x6e: {  	v2 =	vld.idx.msk [tilespmem:v3+s5+$0x0], $0xffff;
	_ =	sdelay $0x1  }
0x6f: {  	v3 =	vadd.s32 $0x200, v1;
	_ =	sdelay $0x3  }
0x70: {  	[tilespmem:s19+$0x1180] =	vst v2  }
0x71: {  	v2 =	vld.idx.msk [tilespmem:v3+s5+$0x0], $0xffff;
	_ =	sdelay $0x1  }
0x72: {  	v3 =	vadd.s32 $0x280, v1;
	_ =	sdelay $0x3  }
0x73: {  	[tilespmem:s19+$0x1200] =	vst v2  }
0x74: {  	v2 =	vld.idx.msk [tilespmem:v3+s5+$0x0], $0xffff;
	_ =	sdelay $0x1  }
0x75: {  	v3 =	vadd.s32 $0x300, v1;
	_ =	sdelay $0x3  }
0x76: {  	[tilespmem:s19+$0x1280] =	vst v2  }
0x77: {  	v2 =	vld.idx.msk [tilespmem:v3+s5+$0x0], $0xffff;
	_ =	sdelay $0x1  }
0x78: {  	v1 =	vadd.s32 $0x380, v1;
	_ =	sdelay $0x3  }
0x79: {  	[tilespmem:s19+$0x1300] =	vst v2  }
0x7a: {  	v1 =	vld.idx.msk [tilespmem:v1+s5+$0x0], $0xffff;
	_ =	sdelay $0x3  }
0x7b: {  	s23 =	sor.u32 s22, s23  }
0x7c: {  	s23 =	sor.u32 $0x380, s23  }
0x7d: {  	[tilespmem:s23+$0x1000] =	vst v1  }
0x7e: {  	v1 =	vld.idx.msk [tilespmem:v4+s12+$0x0], $0xffff;
	_ =	sdelay $0x1  }
0x7f: {  	v2 =	vadd.s32 $0x80, v4;
	_ =	sdelay $0x3  }
0x80: {  	[tilespmem:s19+$0x2000] =	vst v1  }
0x81: {  	v1 =	vld.idx.msk [tilespmem:v2+s12+$0x0], $0xffff;
	_ =	sdelay $0x1  }
0x82: {  	v2 =	vadd.s32 $0x100, v4;
	_ =	sdelay $0x3  }
0x83: {  	[tilespmem:s19+$0x2080] =	vst v1  }
0x84: {  	v1 =	vld.idx.msk [tilespmem:v2+s12+$0x0], $0xffff;
	_ =	sdelay $0x1  }
0x85: {  	v2 =	vadd.s32 $0x180, v4;
	_ =	sdelay $0x3  }
0x86: {  	[tilespmem:s19+$0x2100] =	vst v1  }
0x87: {  	v1 =	vld.idx.msk [tilespmem:v2+s12+$0x0], $0xffff;
	_ =	sdelay $0x5  }
0x88: {  	[tilespmem:s19+$0x2180] =	vst v1  }
0x89: {  	v1 =	vld.idx.msk [tilespmem:v0+s13+$0x0], $0xffff;
	_ =	sdelay $0x1  }
0x8a: {  	v2 =	vadd.s32 $0x80, v0;
	_ =	sdelay $0x3  }
0x8b: {  	[tilespmem:s19+$0x2200] =	vst v1  }
0x8c: {  	v1 =	vld.idx.msk [tilespmem:v2+s13+$0x0], $0xffff;
	_ =	sdelay $0x1  }
0x8d: {  	v2 =	vadd.s32 $0x100, v0;
	_ =	sdelay $0x3  }
0x8e: {  	[tilespmem:s19+$0x2280] =	vst v1  }
0x8f: {  	v1 =	vld.idx.msk [tilespmem:v2+s13+$0x0], $0xffff;
	_ =	sdelay $0x1  }
0x90: {  	v2 =	vadd.s32 $0x180, v0;
	_ =	sdelay $0x3  }
0x91: {  	[tilespmem:s19+$0x2300] =	vst v1  }
0x92: {  	v1 =	vld.idx.msk [tilespmem:v2+s13+$0x0], $0xffff;
	_ =	sdelay $0x1  }
0x93: {  	v2 =	vadd.s32 $0x200, v0;
	_ =	sdelay $0x3  }
0x94: {  	[tilespmem:s19+$0x2380] =	vst v1  }
0x95: {  	v1 =	vld.idx.msk [tilespmem:v2+s13+$0x0], $0xffff;
	_ =	sdelay $0x1  }
0x96: {  	v0 =	vadd.s32 $0x280, v0;
	_ =	sdelay $0x3  }
0x97: {  	[tilespmem:s19+$0x3000] =	vst v1  }
0x98: {  	v0 =	vld.idx.msk [tilespmem:v0+s13+$0x0], $0xffff  }
.Ltmp0:
0x99: {  	(pc) =	sbr.rel @p0 .LBB2_2-.Ltmp0, $2  }
0x9a: {  	_ =	sdelay $0x2  }
0x9b: {  	s21 =	sadd.s32 $0x10, s21  }
0x9c: {  	s16 =	sadd.s32 $0x1, s16  }
0x9d: {  	p0 =	sne.s32 s16, s10  }
.Ltmp1:
0x9e: {  	[tilespmem:s19+$0x3080] =	vst v0;
	(pc) =	sbr.rel @p0 .LBB2_1-.Ltmp1, $4  }
0x9f: {  	[hbm4b:s9+s15] =	stream.strided.scatter [tilespmem:s15], [sflag:$0x1], $0x3000, s14, s15, $0x38;
	[tilespmem:$0x4000] =	vst v63  }
0xa0: {  	_ =	swait.ge [sflag:s11], $0x3000  }
0xa1: {  	[sflag:s11] =	ssyncset.done $0x0  }
0xa2: {  	[sflag:s11] =	ssyncadd.s32 $0xFFFFD000  }
0xa3: {  	_ =	sfence.sel $0x180000  }
0xa4: {  	[bflag:$0x0] =	sbarrier.arrive $0xFFFF  }
0xa5: {  	p0 =	sne.s32 s3, $0x0;
	_ =	strace $0x90000047  }
0xa6: {  	s0 =	sadd.s32 @!p0 $0x100000, s0;
	[bflag:$0x2] =	sbarrier.arrive $0xFFFF  }
0xa7: {  	[sflag:s0] =	ssyncadd.tile.s32 @!p0 $0x1;
	_ =	shalt  }
.Lfunc_end2:
_tile_overlayer_lowered:
.L_overlay_start_2:
0xa8: {  	(tag) =	ssettag $0x2  }
0xa9: {  	s0 =	rddreg [dreg:$0x0];
	s2 =	stileid.u32  }
0xaa: {  	s1 =	rddreg [dreg:$0x1];
	p0 =	sne.s32 s2, $0x0  }
0xab: {  	s3 =	rddreg [dreg:$0x2];
	[bflag:$0x3] =	sbarrier.arrive $0xFFFF;
	s2 =	simm.s32 @!p0 $0x1C01  }
0xac: {  	[timem:s3], [sflag:s2] =	dma.local @!p0 [hbm:s0], s1  }
0xad: {  	s0 =	simm.s32 @!p0 $0x1  }
0xae: {  	_ =	swait.ge @!p0 [sflag:s0], s1  }
0xaf: {  	s1 =	ssub.s32 @!p0 $0x0, s1;
	[sflag:s0] =	ssyncset.done @!p0 $0x0  }
0xb0: {  	[sflag:s0] =	ssyncadd.s32 @!p0 s1  }
0xb1: {  	[bflag:$0x3] =	sbarrier.arrive $0xFFFF  }
0xb2: {  	_ =	shalt  }

</sc_bundles>
